<compile_context>
chip_gen: v7x
topology: tpu7x:2x2x1
jax: 0.10.2.dev20260603
libtpu: 0.0.44.dev20260713+nightly
codegen_flags: <defaults>
</compile_context>

<pallas_src>
import functools

import jax
import jax.numpy as jnp
from jax import lax
from jax.experimental import pallas as pl
from jax.experimental.pallas import tpu as pltpu
from jax.experimental.pallas import tpu_sc as plsc

NUM_EMBEDDINGS = 1024
EMBED_DIM = 64
BLK = 2048
JT = 128
NT = NUM_EMBEDDINGS // JT


def _l2n(v):
    return v * jax.lax.rsqrt((v * v).sum(axis=-1, keepdims=True) + 1e-12)


def _vq_body(x_ref, cb_ref, proj_ref, disc_ref, idx_ref, cbn_ref,
             cbp_scr, cb2_scr):
    @pl.when(pl.program_id(0) == 0)
    def _():
        cbp = jax.lax.dot_general(
            cb_ref[...], proj_ref[...], (((1,), (0,)), ((), ())),
            preferred_element_type=jnp.float32)
        cbp = _l2n(cbp)
        cbp_scr[...] = cbp
        cb2_scr[...] = (cbp * cbp).sum(axis=1, keepdims=True).reshape(1, -1)
        cbn_ref[:, 0:EMBED_DIM] = _l2n(cb_ref[...])
        cbn_ref[:, EMBED_DIM:2 * EMBED_DIM] = jnp.zeros(
            (NUM_EMBEDDINGS, EMBED_DIM), jnp.float32)

    xp = jax.lax.dot_general(
        x_ref[...], proj_ref[...], (((1,), (0,)), ((), ())),
        preferred_element_type=jnp.float32)
    xp = _l2n(xp)
    x2 = (xp * xp).sum(axis=1, keepdims=True)

    run_min = None
    run_j = None
    lane = jax.lax.broadcasted_iota(jnp.int32, (BLK, JT), 1)
    for t in range(NT):
        dots_t = jax.lax.dot_general(
            xp, cbp_scr[t * JT:(t + 1) * JT, :], (((1,), (1,)), ((), ())),
            preferred_element_type=jnp.float32)
        d_t = (x2 + (-2.0) * dots_t) + cb2_scr[:, t * JT:(t + 1) * JT]
        if t == 0:
            run_min = d_t
            run_j = lane
        else:
            pred = d_t < run_min
            run_min = jnp.where(pred, d_t, run_min)
            run_j = jnp.where(pred, lane + t * JT, run_j)

    m = jnp.min(run_min, axis=1, keepdims=True)
    idx = jnp.min(jnp.where(run_min == m, run_j, NUM_EMBEDDINGS),
                  axis=1, keepdims=True)
    idx_ref[...] = idx

    for t in range(NT):
        disc_ref[:, t * JT:(t + 1) * JT] = (
            lane + t * JT == idx).astype(jnp.float32)


def _sc_gather(cbn, idx_flat):
    info = plsc.get_sparse_core_info()
    nw = info.num_cores * info.num_subcores
    b = idx_flat.shape[0]
    b_per_w = b // nw
    mesh = plsc.VectorSubcoreMesh(core_axis_name="c", subcore_axis_name="s")

    @functools.partial(
        pl.kernel, mesh=mesh,
        out_type=jax.ShapeDtypeStruct((b, 2 * EMBED_DIM), jnp.float32),
        scratch_types=[
            pltpu.VMEM((b_per_w,), jnp.int32),
            pltpu.VMEM((b_per_w, 2 * EMBED_DIM), jnp.float32),
            pltpu.SemaphoreType.DMA,
        ],
    )
    def k(table_hbm, idx_hbm, out_hbm, idx_v, rows_v, sem):
        wid = lax.axis_index("s") * info.num_cores + lax.axis_index("c")
        base = wid * b_per_w
        pltpu.sync_copy(idx_hbm.at[pl.ds(base, b_per_w)], idx_v)
        pltpu.async_copy(table_hbm.at[idx_v], rows_v, sem).wait()
        pltpu.sync_copy(rows_v, out_hbm.at[pl.ds(base, b_per_w)])

    return k(cbn, idx_flat)


def kernel(x, codebook, proj_kernel):
    x_flat = x.reshape(-1, EMBED_DIM)
    n = x_flat.shape[0]
    disc, idx2d, cbn = pl.pallas_call(
        _vq_body,
        grid=(n // BLK,),
        in_specs=[
            pl.BlockSpec((BLK, EMBED_DIM), lambda i: (i, 0)),
            pl.BlockSpec((NUM_EMBEDDINGS, EMBED_DIM), lambda i: (0, 0)),
            pl.BlockSpec((EMBED_DIM, EMBED_DIM), lambda i: (0, 0)),
        ],
        out_specs=[
            pl.BlockSpec((BLK, NUM_EMBEDDINGS), lambda i: (i, 0)),
            pl.BlockSpec((BLK, 1), lambda i: (i, 0)),
            pl.BlockSpec((NUM_EMBEDDINGS, 2 * EMBED_DIM), lambda i: (0, 0)),
        ],
        out_shape=[
            jax.ShapeDtypeStruct((n, NUM_EMBEDDINGS), jnp.float32),
            jax.ShapeDtypeStruct((n, 1), jnp.int32),
            jax.ShapeDtypeStruct((NUM_EMBEDDINGS, 2 * EMBED_DIM), jnp.float32),
        ],
        scratch_shapes=[
            pltpu.VMEM((NUM_EMBEDDINGS, EMBED_DIM), jnp.float32),
            pltpu.VMEM((1, NUM_EMBEDDINGS), jnp.float32),
        ],
    )(x_flat, codebook, proj_kernel)
    quant = _sc_gather(cbn, idx2d.reshape(-1))[:, :EMBED_DIM]
    return disc, quant.reshape(x.shape[:-1] + (EMBED_DIM,))

# --- scband reference (transcript-rebuilt; emitter-appended) ---
"""Pipeline reference for scband-vector-quantizer-78451872629292 (READ-ONLY COPY).

The authoritative reference and input builder live on the scoring server;
editing this copy changes nothing except your own understanding.
"""

import jax, jax.numpy as jnp
import numpy as np

NUM_EMBEDDINGS = 1024
EMBED_DIM = 64
PROJ_DIM = 64


def l2_normalize(x, axis=-1, eps=1e-12):
    return x * jax.lax.rsqrt((x * x).sum(axis=axis, keepdims=True) + eps)


def setup_inputs(seed: int = 0) -> dict:
    key = jax.random.key(seed)
    k1, k2, k3 = jax.random.split(key, 3)
    x = jax.random.normal(k1, (16, 1024, 64), dtype=jnp.float32)
    codebook = jax.random.normal(k2, (NUM_EMBEDDINGS, EMBED_DIM), dtype=jnp.float32) * 0.02
    # flax Dense kernel shape is (in_features, out_features); use_bias=False
    proj_kernel = jax.random.normal(k3, (EMBED_DIM, PROJ_DIM), dtype=jnp.float32) * (1.0 / np.sqrt(EMBED_DIM))
    return {"x": x, "codebook": codebook, "proj_kernel": proj_kernel}


def reference(x, codebook, proj_kernel):
    x_flatten = x.reshape(-1, EMBED_DIM)
    cb = codebook
    # projection (projection_dim is not None)
    x_flatten = x_flatten @ proj_kernel
    cb = cb @ proj_kernel
    # normalize=True
    x_flatten = l2_normalize(x_flatten)
    cb = l2_normalize(cb)
    distances = (
        jnp.sum(x_flatten ** 2, axis=1, keepdims=True)
        + -2 * jnp.dot(x_flatten, cb.T)
        + jnp.sum(cb ** 2, axis=1)
    )
    idx = jnp.argmin(distances, axis=1)
    discrete = jax.nn.one_hot(idx, NUM_EMBEDDINGS, dtype=x.dtype)
    quantized = jnp.dot(discrete, codebook)
    quantized = quantized.reshape(x.shape[:-1] + (-1,))
    quantized = l2_normalize(quantized)
    return (discrete, quantized)

if __name__ == "__main__":
    import jax
    _d = setup_inputs()
    print(jax.jit(kernel)(*tuple(_d.values())))

</pallas_src>

<mosaic_0001>
#map = affine_map<(d0, d1) -> (0, 0)>
#map1 = affine_map<(d0, d1) -> (0)>
module attributes {stable_mosaic.version = 14 : i64} {
  func.func @k(%arg0: i32, %arg1: i32, %arg2: memref<1024x128xf32, #tpu.memory_space<hbm>>, %arg3: memref<16384xi32, #tpu.memory_space<hbm>>, %arg4: memref<16384x128xf32, #tpu.memory_space<hbm>>, %arg5: memref<512xi32, #tpu.memory_space<vmem>>, %arg6: memref<512x128xf32, #tpu.memory_space<vmem>>, %arg7: memref<!tpu.dma_semaphore, #tpu.memory_space<semaphore_mem>>) attributes {dimension_semantics = [#tpu.dimension_semantics<core_parallel>, #tpu.dimension_semantics<subcore_parallel>], iteration_bounds = array<i64: 2, 16>, scalar_prefetch = 0 : i64, scratch_operands = 3 : i64, tpu.core_type = #tpu.core_type<sc_vector_subcore>, window_params = [{transform_indices = #map}, {transform_indices = #map1}, {transform_indices = #map}]} {
    %mul3A = arith.constant 2 : i32
    %mul3A_0 = arith.muli %arg1, %mul3A : i32
    %add3A = arith.addi %mul3A_0, %arg0 : i32
    %mul3A_1 = arith.constant 512 : i32
    %mul3A_2 = arith.muli %add3A, %mul3A_1 : i32
    "tpu.region"() ({
      %run_scoped3A = tpu.sem_alloc : memref<!tpu.dma_semaphore, #tpu.memory_space<semaphore_mem>>
      %dma_start3A_7 = tpu.memref_slice %arg3[%mul3A_2] : memref<16384xi32, #tpu.memory_space<hbm>> -> memref<512xi32, #tpu.memory_space<hbm>>
      %dma_start3A_8 = tpu.memref_slice %arg3[%mul3A_2] : memref<16384xi32, #tpu.memory_space<hbm>> -> memref<512xi32, #tpu.memory_space<hbm>>
      tpu.enqueue_dma source(%dma_start3A_8 : memref<512xi32, #tpu.memory_space<hbm>>) target(%arg5 : memref<512xi32, #tpu.memory_space<vmem>>) target_semaphore(%run_scoped3A : memref<!tpu.dma_semaphore, #tpu.memory_space<semaphore_mem>>)
      %dma_wait3A_9 = tpu.memref_slice %arg3[%mul3A_2] : memref<16384xi32, #tpu.memory_space<hbm>> -> memref<512xi32, #tpu.memory_space<hbm>>
      %dma_wait3A_10 = tpu.memref_slice %arg3[%mul3A_2] : memref<16384xi32, #tpu.memory_space<hbm>> -> memref<512xi32, #tpu.memory_space<hbm>>
      tpu.wait_dma2 semaphore(%run_scoped3A : memref<!tpu.dma_semaphore, #tpu.memory_space<semaphore_mem>>) src(%dma_wait3A_10 : memref<512xi32, #tpu.memory_space<hbm>>) dst(%arg5 : memref<512xi32, #tpu.memory_space<vmem>>)
      tpu.yield
    }) : () -> ()
    %dma_start3A = arith.constant 0 : i32
    %dma_start3A_3 = arith.constant 0 : i32
    %dma_start3A_4 = tpu.memref_slice %arg2[%dma_start3A, %dma_start3A_3] : memref<1024x128xf32, #tpu.memory_space<hbm>> -> memref<1024x128xf32, #tpu.memory_space<hbm>>
    tpu.enqueue_indirect_dma source(%dma_start3A_4 : memref<1024x128xf32, #tpu.memory_space<hbm>>) target(%arg6 : memref<512x128xf32, #tpu.memory_space<vmem>>) offsets(%arg5 : memref<512xi32, #tpu.memory_space<vmem>>) semaphore(%arg7 : memref<!tpu.dma_semaphore, #tpu.memory_space<semaphore_mem>>)
    %dma_wait3A = arith.constant 0 : i32
    %dma_wait3A_5 = arith.constant 0 : i32
    %dma_wait3A_6 = tpu.memref_slice %arg2[%dma_wait3A, %dma_wait3A_5] : memref<1024x128xf32, #tpu.memory_space<hbm>> -> memref<1024x128xf32, #tpu.memory_space<hbm>>
    tpu.wait_indirect_dma semaphore(%arg7 : memref<!tpu.dma_semaphore, #tpu.memory_space<semaphore_mem>>) src(%dma_wait3A_6 : memref<1024x128xf32, #tpu.memory_space<hbm>>) dst(%arg6 : memref<512x128xf32, #tpu.memory_space<vmem>>)
    "tpu.region"() ({
      %run_scoped3A = tpu.sem_alloc : memref<!tpu.dma_semaphore, #tpu.memory_space<semaphore_mem>>
      %dma_start3A_7 = arith.constant 0 : i32
      %dma_start3A_8 = tpu.memref_slice %arg4[%mul3A_2, %dma_start3A_7] : memref<16384x128xf32, #tpu.memory_space<hbm>> -> memref<512x128xf32, #tpu.memory_space<hbm>>
      %dma_start3A_9 = arith.constant 0 : i32
      %dma_start3A_10 = tpu.memref_slice %arg4[%mul3A_2, %dma_start3A_9] : memref<16384x128xf32, #tpu.memory_space<hbm>> -> memref<512x128xf32, #tpu.memory_space<hbm>>
      tpu.enqueue_dma source(%arg6 : memref<512x128xf32, #tpu.memory_space<vmem>>) target(%dma_start3A_10 : memref<512x128xf32, #tpu.memory_space<hbm>>) target_semaphore(%run_scoped3A : memref<!tpu.dma_semaphore, #tpu.memory_space<semaphore_mem>>)
      %dma_wait3A_11 = arith.constant 0 : i32
      %dma_wait3A_12 = tpu.memref_slice %arg4[%mul3A_2, %dma_wait3A_11] : memref<16384x128xf32, #tpu.memory_space<hbm>> -> memref<512x128xf32, #tpu.memory_space<hbm>>
      %dma_wait3A_13 = arith.constant 0 : i32
      %dma_wait3A_14 = tpu.memref_slice %arg4[%mul3A_2, %dma_wait3A_13] : memref<16384x128xf32, #tpu.memory_space<hbm>> -> memref<512x128xf32, #tpu.memory_space<hbm>>
      tpu.wait_dma2 semaphore(%run_scoped3A : memref<!tpu.dma_semaphore, #tpu.memory_space<semaphore_mem>>) src(%arg6 : memref<512x128xf32, #tpu.memory_space<vmem>>) dst(%dma_wait3A_14 : memref<512x128xf32, #tpu.memory_space<hbm>>)
      tpu.yield
    }) : () -> ()
    return
  }
}

module attributes {stable_mosaic.version = 14 : i64} {
  func.func @_vq_body(%arg0: i32, %arg1: memref<2048x64xf32, #tpu.memory_space<vmem>>, %arg2: memref<1024x64xf32, #tpu.memory_space<vmem>>, %arg3: memref<64x64xf32, #tpu.memory_space<vmem>>, %arg4: memref<2048x1024xf32, #tpu.memory_space<vmem>>, %arg5: memref<2048x1xi32, #tpu.memory_space<vmem>>, %arg6: memref<1024x128xf32, #tpu.memory_space<vmem>>, %arg7: memref<1024x64xf32, #tpu.memory_space<vmem>>, %arg8: memref<1x1024xf32, #tpu.memory_space<vmem>>) attributes {dimension_semantics = [#tpu.dimension_semantics<arbitrary>], iteration_bounds = array<i64: 8>, scalar_prefetch = 0 : i64, scratch_operands = 2 : i64, tpu.core_type = #tpu.core_type<tc>, window_params = [{transform_indices = @transform_0, window_bounds = array<i64: 2048, 64>}, {pipeline_mode = #tpu.pipeline_mode<synchronous>, transform_indices = @transform_1, window_bounds = array<i64: 1024, 64>}, {pipeline_mode = #tpu.pipeline_mode<synchronous>, transform_indices = @transform_2, window_bounds = array<i64: 64, 64>}, {transform_indices = @transform_3, window_bounds = array<i64: 2048, 1024>}, {transform_indices = @transform_4, window_bounds = array<i64: 2048, 1>}, {pipeline_mode = #tpu.pipeline_mode<synchronous>, transform_indices = @transform_5, window_bounds = array<i64: 1024, 128>}]} {
    %eq3A = arith.constant 0 : i32
    %eq3A_0 = arith.cmpi eq, %arg0, %eq3A : i32
    %convert_element_type3A = arith.extui %eq3A_0 : i1 to i32
    %cond3A = arith.constant 0 : i32
    %cond3A_1 = arith.cmpi ne, %convert_element_type3A, %cond3A : i32
    scf.if %cond3A_1 {
      %get3A_268 = arith.constant 0 : index
      %get3A_269 = arith.constant 0 : index
      %get3A_270 = vector.load %arg2[%get3A_268, %get3A_269] : memref<1024x64xf32, #tpu.memory_space<vmem>>, vector<1024x64xf32>
      %get3A_271 = arith.constant 0 : index
      %get3A_272 = arith.constant 0 : index
      %get3A_273 = vector.load %arg3[%get3A_271, %get3A_272] : memref<64x64xf32, #tpu.memory_space<vmem>>, vector<64x64xf32>
      %dot_general3A_274 = arith.constant dense<0.000000e+00> : vector<1024x64xf32>
      %dot_general3A_275 = tpu.matmul %get3A_270, %get3A_273, %dot_general3A_274 {dimension_numbers = #tpu.dot_dimension_numbers<[1], [0], [0], [1], [0, 0, 1, 1], [], []>, transpose_lhs_hint = false} : vector<1024x64xf32>, vector<64x64xf32>, vector<1024x64xf32> -> vector<1024x64xf32>
      %mul3A_276 = arith.mulf %dot_general3A_275, %dot_general3A_275 : vector<1024x64xf32>
      %reduce_sum3A_277 = arith.constant dense<0.000000e+00> : vector<1024xf32>
      %reduce_sum3A_278 = vector.multi_reduction <add>, %mul3A_276, %reduce_sum3A_277 [1] : vector<1024x64xf32> to vector<1024xf32>
      %broadcast_in_dim3A_279 = vector.shape_cast %reduce_sum3A_278 : vector<1024xf32> to vector<1024x1xf32>
      %add3A_280 = arith.constant 9.99999996E-13 : f32
      %add3A_281 = vector.broadcast %add3A_280 : f32 to vector<1024x1xf32>
      %add3A_282 = arith.addf %broadcast_in_dim3A_279, %add3A_281 : vector<1024x1xf32>
      %rsqrt3A_283 = math.rsqrt %add3A_282 : vector<1024x1xf32>
      %mul3A_284 = vector.broadcast %rsqrt3A_283 : vector<1024x1xf32> to vector<1024x64xf32>
      %mul3A_285 = arith.mulf %dot_general3A_275, %mul3A_284 : vector<1024x64xf32>
      %swap3A_286 = arith.constant 0 : index
      %swap3A_287 = arith.constant 0 : index
      %swap3A_288 = vector.load %arg7[%swap3A_286, %swap3A_287] : memref<1024x64xf32, #tpu.memory_space<vmem>>, vector<1024x64xf32>
      tpu.vector_store %arg7[%swap3A_286, %swap3A_287], %mul3A_285 {strides = array<i32>} : memref<1024x64xf32, #tpu.memory_space<vmem>>, vector<1024x64xf32>,
      %mul3A_289 = arith.mulf %mul3A_285, %mul3A_285 : vector<1024x64xf32>
      %reduce_sum3A_290 = arith.constant dense<0.000000e+00> : vector<1024xf32>
      %reduce_sum3A_291 = vector.multi_reduction <add>, %mul3A_289, %reduce_sum3A_290 [1] : vector<1024x64xf32> to vector<1024xf32>
      %broadcast_in_dim3A_292 = vector.shape_cast %reduce_sum3A_291 : vector<1024xf32> to vector<1024x1xf32>
      %reshape3A = vector.shape_cast %broadcast_in_dim3A_292 : vector<1024x1xf32> to vector<1x1024xf32>
      %swap3A_293 = arith.constant 0 : index
      %swap3A_294 = arith.constant 0 : index
      %swap3A_295 = vector.load %arg8[%swap3A_293, %swap3A_294] : memref<1x1024xf32, #tpu.memory_space<vmem>>, vector<1x1024xf32>
      tpu.vector_store %arg8[%swap3A_293, %swap3A_294], %reshape3A {strides = array<i32>} : memref<1x1024xf32, #tpu.memory_space<vmem>>, vector<1x1024xf32>,
      %get3A_296 = arith.constant 0 : index
      %get3A_297 = arith.constant 0 : index
      %get3A_298 = vector.load %arg2[%get3A_296, %get3A_297] : memref<1024x64xf32, #tpu.memory_space<vmem>>, vector<1024x64xf32>
      %mul3A_299 = arith.mulf %get3A_298, %get3A_298 : vector<1024x64xf32>
      %reduce_sum3A_300 = arith.constant dense<0.000000e+00> : vector<1024xf32>
      %reduce_sum3A_301 = vector.multi_reduction <add>, %mul3A_299, %reduce_sum3A_300 [1] : vector<1024x64xf32> to vector<1024xf32>
      %broadcast_in_dim3A_302 = vector.shape_cast %reduce_sum3A_301 : vector<1024xf32> to vector<1024x1xf32>
      %add3A_303 = arith.constant 9.99999996E-13 : f32
      %add3A_304 = vector.broadcast %add3A_303 : f32 to vector<1024x1xf32>
      %add3A_305 = arith.addf %broadcast_in_dim3A_302, %add3A_304 : vector<1024x1xf32>
      %rsqrt3A_306 = math.rsqrt %add3A_305 : vector<1024x1xf32>
      %mul3A_307 = vector.broadcast %rsqrt3A_306 : vector<1024x1xf32> to vector<1024x64xf32>
      %mul3A_308 = arith.mulf %get3A_298, %mul3A_307 : vector<1024x64xf32>
      %swap3A_309 = arith.constant 0 : index
      %swap3A_310 = arith.constant 0 : index
      %swap3A_311 = vector.load %arg6[%swap3A_309, %swap3A_310] : memref<1024x128xf32, #tpu.memory_space<vmem>>, vector<1024x64xf32>
      tpu.vector_store %arg6[%swap3A_309, %swap3A_310], %mul3A_308 {strides = array<i32>} : memref<1024x128xf32, #tpu.memory_space<vmem>>, vector<1024x64xf32>,
      %broadcast_in_dim3A_312 = arith.constant 0.000000e+00 : f32
      %broadcast_in_dim3A_313 = vector.broadcast %broadcast_in_dim3A_312 : f32 to vector<1024x64xf32>
      %swap3A_314 = arith.constant 0 : index
      %swap3A_315 = arith.constant 64 : index
      %swap3A_316 = vector.load %arg6[%swap3A_314, %swap3A_315] : memref<1024x128xf32, #tpu.memory_space<vmem>>, vector<1024x64xf32>
      tpu.vector_store %arg6[%swap3A_314, %swap3A_315], %broadcast_in_dim3A_313 {strides = array<i32>} : memref<1024x128xf32, #tpu.memory_space<vmem>>, vector<1024x64xf32>,
    } else {
    }
    %get3A = arith.constant 0 : index
    %get3A_2 = arith.constant 0 : index
    %get3A_3 = vector.load %arg1[%get3A, %get3A_2] : memref<2048x64xf32, #tpu.memory_space<vmem>>, vector<2048x64xf32>
    %get3A_4 = arith.constant 0 : index
    %get3A_5 = arith.constant 0 : index
    %get3A_6 = vector.load %arg3[%get3A_4, %get3A_5] : memref<64x64xf32, #tpu.memory_space<vmem>>, vector<64x64xf32>
    %dot_general3A = arith.constant dense<0.000000e+00> : vector<2048x64xf32>
    %dot_general3A_7 = tpu.matmul %get3A_3, %get3A_6, %dot_general3A {dimension_numbers = #tpu.dot_dimension_numbers<[1], [0], [0], [1], [0, 0, 1, 1], [], []>, transpose_lhs_hint = false} : vector<2048x64xf32>, vector<64x64xf32>, vector<2048x64xf32> -> vector<2048x64xf32>
    %mul3A = arith.mulf %dot_general3A_7, %dot_general3A_7 : vector<2048x64xf32>
    %reduce_sum3A = arith.constant dense<0.000000e+00> : vector<2048xf32>
    %reduce_sum3A_8 = vector.multi_reduction <add>, %mul3A, %reduce_sum3A [1] : vector<2048x64xf32> to vector<2048xf32>
    %broadcast_in_dim3A = vector.shape_cast %reduce_sum3A_8 : vector<2048xf32> to vector<2048x1xf32>
    %add3A = arith.constant 9.99999996E-13 : f32
    %add3A_9 = vector.broadcast %add3A : f32 to vector<2048x1xf32>
    %add3A_10 = arith.addf %broadcast_in_dim3A, %add3A_9 : vector<2048x1xf32>
    %rsqrt3A = math.rsqrt %add3A_10 : vector<2048x1xf32>
    %mul3A_11 = vector.broadcast %rsqrt3A : vector<2048x1xf32> to vector<2048x64xf32>
    %mul3A_12 = arith.mulf %dot_general3A_7, %mul3A_11 : vector<2048x64xf32>
    %mul3A_13 = arith.mulf %mul3A_12, %mul3A_12 : vector<2048x64xf32>
    %reduce_sum3A_14 = arith.constant dense<0.000000e+00> : vector<2048xf32>
    %reduce_sum3A_15 = vector.multi_reduction <add>, %mul3A_13, %reduce_sum3A_14 [1] : vector<2048x64xf32> to vector<2048xf32>
    %broadcast_in_dim3A_16 = vector.shape_cast %reduce_sum3A_15 : vector<2048xf32> to vector<2048x1xf32>
    %iota3A = tpu.iota {dimensions = array<i32: 1>} : vector<2048x128xi32>
    %get3A_17 = arith.constant 0 : index
    %get3A_18 = arith.constant 0 : index
    %get3A_19 = vector.load %arg7[%get3A_17, %get3A_18] : memref<1024x64xf32, #tpu.memory_space<vmem>>, vector<128x64xf32>
    %dot_general3A_20 = arith.constant dense<0.000000e+00> : vector<2048x128xf32>
    %dot_general3A_21 = tpu.matmul %mul3A_12, %get3A_19, %dot_general3A_20 {dimension_numbers = #tpu.dot_dimension_numbers<[1], [1], [0], [0], [0, 0, 1, 0], [], []>, transpose_lhs_hint = false} : vector<2048x64xf32>, vector<128x64xf32>, vector<2048x128xf32> -> vector<2048x128xf32>
    %mul3A_22 = arith.constant -2.000000e+00 : f32
    %mul3A_23 = vector.broadcast %mul3A_22 : f32 to vector<2048x128xf32>
    %mul3A_24 = arith.mulf %mul3A_23, %dot_general3A_21 : vector<2048x128xf32>
    %add3A_25 = vector.broadcast %broadcast_in_dim3A_16 : vector<2048x1xf32> to vector<2048x128xf32>
    %add3A_26 = arith.addf %add3A_25, %mul3A_24 : vector<2048x128xf32>
    %get3A_27 = arith.constant 0 : index
    %get3A_28 = arith.constant 0 : index
    %get3A_29 = vector.load %arg8[%get3A_27, %get3A_28] : memref<1x1024xf32, #tpu.memory_space<vmem>>, vector<1x128xf32>
    %add3A_30 = vector.broadcast %get3A_29 : vector<1x128xf32> to vector<2048x128xf32>
    %add3A_31 = arith.addf %add3A_26, %add3A_30 : vector<2048x128xf32>
    %get3A_32 = arith.constant 128 : index
    %get3A_33 = arith.constant 0 : index
    %get3A_34 = vector.load %arg7[%get3A_32, %get3A_33] : memref<1024x64xf32, #tpu.memory_space<vmem>>, vector<128x64xf32>
    %dot_general3A_35 = arith.constant dense<0.000000e+00> : vector<2048x128xf32>
    %dot_general3A_36 = tpu.matmul %mul3A_12, %get3A_34, %dot_general3A_35 {dimension_numbers = #tpu.dot_dimension_numbers<[1], [1], [0], [0], [0, 0, 1, 0], [], []>, transpose_lhs_hint = false} : vector<2048x64xf32>, vector<128x64xf32>, vector<2048x128xf32> -> vector<2048x128xf32>
    %mul3A_37 = arith.constant -2.000000e+00 : f32
    %mul3A_38 = vector.broadcast %mul3A_37 : f32 to vector<2048x128xf32>
    %mul3A_39 = arith.mulf %mul3A_38, %dot_general3A_36 : vector<2048x128xf32>
    %add3A_40 = vector.broadcast %broadcast_in_dim3A_16 : vector<2048x1xf32> to vector<2048x128xf32>
    %add3A_41 = arith.addf %add3A_40, %mul3A_39 : vector<2048x128xf32>
    %get3A_42 = arith.constant 0 : index
    %get3A_43 = arith.constant 128 : index
    %get3A_44 = vector.load %arg8[%get3A_42, %get3A_43] : memref<1x1024xf32, #tpu.memory_space<vmem>>, vector<1x128xf32>
    %add3A_45 = vector.broadcast %get3A_44 : vector<1x128xf32> to vector<2048x128xf32>
    %add3A_46 = arith.addf %add3A_41, %add3A_45 : vector<2048x128xf32>
    %lt3A = arith.cmpf olt, %add3A_46, %add3A_31 : vector<2048x128xf32>
    %select_n3A = arith.select %lt3A, %add3A_46, %add3A_31 : vector<2048x128xi1>, vector<2048x128xf32>
    %add3A_47 = arith.constant 128 : i32
    %add3A_48 = vector.broadcast %add3A_47 : i32 to vector<2048x128xi32>
    %add3A_49 = arith.addi %iota3A, %add3A_48 : vector<2048x128xi32>
    %select_n3A_50 = arith.select %lt3A, %add3A_49, %iota3A : vector<2048x128xi1>, vector<2048x128xi32>
    %get3A_51 = arith.constant 256 : index
    %get3A_52 = arith.constant 0 : index
    %get3A_53 = vector.load %arg7[%get3A_51, %get3A_52] : memref<1024x64xf32, #tpu.memory_space<vmem>>, vector<128x64xf32>
    %dot_general3A_54 = arith.constant dense<0.000000e+00> : vector<2048x128xf32>
    %dot_general3A_55 = tpu.matmul %mul3A_12, %get3A_53, %dot_general3A_54 {dimension_numbers = #tpu.dot_dimension_numbers<[1], [1], [0], [0], [0, 0, 1, 0], [], []>, transpose_lhs_hint = false} : vector<2048x64xf32>, vector<128x64xf32>, vector<2048x128xf32> -> vector<2048x128xf32>
    %mul3A_56 = arith.constant -2.000000e+00 : f32
    %mul3A_57 = vector.broadcast %mul3A_56 : f32 to vector<2048x128xf32>
    %mul3A_58 = arith.mulf %mul3A_57, %dot_general3A_55 : vector<2048x128xf32>
    %add3A_59 = vector.broadcast %broadcast_in_dim3A_16 : vector<2048x1xf32> to vector<2048x128xf32>
    %add3A_60 = arith.addf %add3A_59, %mul3A_58 : vector<2048x128xf32>
    %get3A_61 = arith.constant 0 : index
    %get3A_62 = arith.constant 256 : index
    %get3A_63 = vector.load %arg8[%get3A_61, %get3A_62] : memref<1x1024xf32, #tpu.memory_space<vmem>>, vector<1x128xf32>
    %add3A_64 = vector.broadcast %get3A_63 : vector<1x128xf32> to vector<2048x128xf32>
    %add3A_65 = arith.addf %add3A_60, %add3A_64 : vector<2048x128xf32>
    %lt3A_66 = arith.cmpf olt, %add3A_65, %select_n3A : vector<2048x128xf32>
    %select_n3A_67 = arith.select %lt3A_66, %add3A_65, %select_n3A : vector<2048x128xi1>, vector<2048x128xf32>
    %add3A_68 = arith.constant 256 : i32
    %add3A_69 = vector.broadcast %add3A_68 : i32 to vector<2048x128xi32>
    %add3A_70 = arith.addi %iota3A, %add3A_69 : vector<2048x128xi32>
    %select_n3A_71 = arith.select %lt3A_66, %add3A_70, %select_n3A_50 : vector<2048x128xi1>, vector<2048x128xi32>
    %get3A_72 = arith.constant 384 : index
    %get3A_73 = arith.constant 0 : index
    %get3A_74 = vector.load %arg7[%get3A_72, %get3A_73] : memref<1024x64xf32, #tpu.memory_space<vmem>>, vector<128x64xf32>
    %dot_general3A_75 = arith.constant dense<0.000000e+00> : vector<2048x128xf32>
    %dot_general3A_76 = tpu.matmul %mul3A_12, %get3A_74, %dot_general3A_75 {dimension_numbers = #tpu.dot_dimension_numbers<[1], [1], [0], [0], [0, 0, 1, 0], [], []>, transpose_lhs_hint = false} : vector<2048x64xf32>, vector<128x64xf32>, vector<2048x128xf32> -> vector<2048x128xf32>
    %mul3A_77 = arith.constant -2.000000e+00 : f32
    %mul3A_78 = vector.broadcast %mul3A_77 : f32 to vector<2048x128xf32>
    %mul3A_79 = arith.mulf %mul3A_78, %dot_general3A_76 : vector<2048x128xf32>
    %add3A_80 = vector.broadcast %broadcast_in_dim3A_16 : vector<2048x1xf32> to vector<2048x128xf32>
    %add3A_81 = arith.addf %add3A_80, %mul3A_79 : vector<2048x128xf32>
    %get3A_82 = arith.constant 0 : index
    %get3A_83 = arith.constant 384 : index
    %get3A_84 = vector.load %arg8[%get3A_82, %get3A_83] : memref<1x1024xf32, #tpu.memory_space<vmem>>, vector<1x128xf32>
    %add3A_85 = vector.broadcast %get3A_84 : vector<1x128xf32> to vector<2048x128xf32>
    %add3A_86 = arith.addf %add3A_81, %add3A_85 : vector<2048x128xf32>
    %lt3A_87 = arith.cmpf olt, %add3A_86, %select_n3A_67 : vector<2048x128xf32>
    %select_n3A_88 = arith.select %lt3A_87, %add3A_86, %select_n3A_67 : vector<2048x128xi1>, vector<2048x128xf32>
    %add3A_89 = arith.constant 384 : i32
    %add3A_90 = vector.broadcast %add3A_89 : i32 to vector<2048x128xi32>
    %add3A_91 = arith.addi %iota3A, %add3A_90 : vector<2048x128xi32>
    %select_n3A_92 = arith.select %lt3A_87, %add3A_91, %select_n3A_71 : vector<2048x128xi1>, vector<2048x128xi32>
    %get3A_93 = arith.constant 512 : index
    %get3A_94 = arith.constant 0 : index
    %get3A_95 = vector.load %arg7[%get3A_93, %get3A_94] : memref<1024x64xf32, #tpu.memory_space<vmem>>, vector<128x64xf32>
    %dot_general3A_96 = arith.constant dense<0.000000e+00> : vector<2048x128xf32>
    %dot_general3A_97 = tpu.matmul %mul3A_12, %get3A_95, %dot_general3A_96 {dimension_numbers = #tpu.dot_dimension_numbers<[1], [1], [0], [0], [0, 0, 1, 0], [], []>, transpose_lhs_hint = false} : vector<2048x64xf32>, vector<128x64xf32>, vector<2048x128xf32> -> vector<2048x128xf32>
    %mul3A_98 = arith.constant -2.000000e+00 : f32
    %mul3A_99 = vector.broadcast %mul3A_98 : f32 to vector<2048x128xf32>
    %mul3A_100 = arith.mulf %mul3A_99, %dot_general3A_97 : vector<2048x128xf32>
    %add3A_101 = vector.broadcast %broadcast_in_dim3A_16 : vector<2048x1xf32> to vector<2048x128xf32>
    %add3A_102 = arith.addf %add3A_101, %mul3A_100 : vector<2048x128xf32>
    %get3A_103 = arith.constant 0 : index
    %get3A_104 = arith.constant 512 : index
    %get3A_105 = vector.load %arg8[%get3A_103, %get3A_104] : memref<1x1024xf32, #tpu.memory_space<vmem>>, vector<1x128xf32>
    %add3A_106 = vector.broadcast %get3A_105 : vector<1x128xf32> to vector<2048x128xf32>
    %add3A_107 = arith.addf %add3A_102, %add3A_106 : vector<2048x128xf32>
    %lt3A_108 = arith.cmpf olt, %add3A_107, %select_n3A_88 : vector<2048x128xf32>
    %select_n3A_109 = arith.select %lt3A_108, %add3A_107, %select_n3A_88 : vector<2048x128xi1>, vector<2048x128xf32>
    %add3A_110 = arith.constant 512 : i32
    %add3A_111 = vector.broadcast %add3A_110 : i32 to vector<2048x128xi32>
    %add3A_112 = arith.addi %iota3A, %add3A_111 : vector<2048x128xi32>
    %select_n3A_113 = arith.select %lt3A_108, %add3A_112, %select_n3A_92 : vector<2048x128xi1>, vector<2048x128xi32>
    %get3A_114 = arith.constant 640 : index
    %get3A_115 = arith.constant 0 : index
    %get3A_116 = vector.load %arg7[%get3A_114, %get3A_115] : memref<1024x64xf32, #tpu.memory_space<vmem>>, vector<128x64xf32>
    %dot_general3A_117 = arith.constant dense<0.000000e+00> : vector<2048x128xf32>
    %dot_general3A_118 = tpu.matmul %mul3A_12, %get3A_116, %dot_general3A_117 {dimension_numbers = #tpu.dot_dimension_numbers<[1], [1], [0], [0], [0, 0, 1, 0], [], []>, transpose_lhs_hint = false} : vector<2048x64xf32>, vector<128x64xf32>, vector<2048x128xf32> -> vector<2048x128xf32>
    %mul3A_119 = arith.constant -2.000000e+00 : f32
    %mul3A_120 = vector.broadcast %mul3A_119 : f32 to vector<2048x128xf32>
    %mul3A_121 = arith.mulf %mul3A_120, %dot_general3A_118 : vector<2048x128xf32>
    %add3A_122 = vector.broadcast %broadcast_in_dim3A_16 : vector<2048x1xf32> to vector<2048x128xf32>
    %add3A_123 = arith.addf %add3A_122, %mul3A_121 : vector<2048x128xf32>
    %get3A_124 = arith.constant 0 : index
    %get3A_125 = arith.constant 640 : index
    %get3A_126 = vector.load %arg8[%get3A_124, %get3A_125] : memref<1x1024xf32, #tpu.memory_space<vmem>>, vector<1x128xf32>
    %add3A_127 = vector.broadcast %get3A_126 : vector<1x128xf32> to vector<2048x128xf32>
    %add3A_128 = arith.addf %add3A_123, %add3A_127 : vector<2048x128xf32>
    %lt3A_129 = arith.cmpf olt, %add3A_128, %select_n3A_109 : vector<2048x128xf32>
    %select_n3A_130 = arith.select %lt3A_129, %add3A_128, %select_n3A_109 : vector<2048x128xi1>, vector<2048x128xf32>
    %add3A_131 = arith.constant 640 : i32
    %add3A_132 = vector.broadcast %add3A_131 : i32 to vector<2048x128xi32>
    %add3A_133 = arith.addi %iota3A, %add3A_132 : vector<2048x128xi32>
    %select_n3A_134 = arith.select %lt3A_129, %add3A_133, %select_n3A_113 : vector<2048x128xi1>, vector<2048x128xi32>
    %get3A_135 = arith.constant 768 : index
    %get3A_136 = arith.constant 0 : index
    %get3A_137 = vector.load %arg7[%get3A_135, %get3A_136] : memref<1024x64xf32, #tpu.memory_space<vmem>>, vector<128x64xf32>
    %dot_general3A_138 = arith.constant dense<0.000000e+00> : vector<2048x128xf32>
    %dot_general3A_139 = tpu.matmul %mul3A_12, %get3A_137, %dot_general3A_138 {dimension_numbers = #tpu.dot_dimension_numbers<[1], [1], [0], [0], [0, 0, 1, 0], [], []>, transpose_lhs_hint = false} : vector<2048x64xf32>, vector<128x64xf32>, vector<2048x128xf32> -> vector<2048x128xf32>
    %mul3A_140 = arith.constant -2.000000e+00 : f32
    %mul3A_141 = vector.broadcast %mul3A_140 : f32 to vector<2048x128xf32>
    %mul3A_142 = arith.mulf %mul3A_141, %dot_general3A_139 : vector<2048x128xf32>
    %add3A_143 = vector.broadcast %broadcast_in_dim3A_16 : vector<2048x1xf32> to vector<2048x128xf32>
    %add3A_144 = arith.addf %add3A_143, %mul3A_142 : vector<2048x128xf32>
    %get3A_145 = arith.constant 0 : index
    %get3A_146 = arith.constant 768 : index
    %get3A_147 = vector.load %arg8[%get3A_145, %get3A_146] : memref<1x1024xf32, #tpu.memory_space<vmem>>, vector<1x128xf32>
    %add3A_148 = vector.broadcast %get3A_147 : vector<1x128xf32> to vector<2048x128xf32>
    %add3A_149 = arith.addf %add3A_144, %add3A_148 : vector<2048x128xf32>
    %lt3A_150 = arith.cmpf olt, %add3A_149, %select_n3A_130 : vector<2048x128xf32>
    %select_n3A_151 = arith.select %lt3A_150, %add3A_149, %select_n3A_130 : vector<2048x128xi1>, vector<2048x128xf32>
    %add3A_152 = arith.constant 768 : i32
    %add3A_153 = vector.broadcast %add3A_152 : i32 to vector<2048x128xi32>
    %add3A_154 = arith.addi %iota3A, %add3A_153 : vector<2048x128xi32>
    %select_n3A_155 = arith.select %lt3A_150, %add3A_154, %select_n3A_134 : vector<2048x128xi1>, vector<2048x128xi32>
    %get3A_156 = arith.constant 896 : index
    %get3A_157 = arith.constant 0 : index
    %get3A_158 = vector.load %arg7[%get3A_156, %get3A_157] : memref<1024x64xf32, #tpu.memory_space<vmem>>, vector<128x64xf32>
    %dot_general3A_159 = arith.constant dense<0.000000e+00> : vector<2048x128xf32>
    %dot_general3A_160 = tpu.matmul %mul3A_12, %get3A_158, %dot_general3A_159 {dimension_numbers = #tpu.dot_dimension_numbers<[1], [1], [0], [0], [0, 0, 1, 0], [], []>, transpose_lhs_hint = false} : vector<2048x64xf32>, vector<128x64xf32>, vector<2048x128xf32> -> vector<2048x128xf32>
    %mul3A_161 = arith.constant -2.000000e+00 : f32
    %mul3A_162 = vector.broadcast %mul3A_161 : f32 to vector<2048x128xf32>
    %mul3A_163 = arith.mulf %mul3A_162, %dot_general3A_160 : vector<2048x128xf32>
    %add3A_164 = vector.broadcast %broadcast_in_dim3A_16 : vector<2048x1xf32> to vector<2048x128xf32>
    %add3A_165 = arith.addf %add3A_164, %mul3A_163 : vector<2048x128xf32>
    %get3A_166 = arith.constant 0 : index
    %get3A_167 = arith.constant 896 : index
    %get3A_168 = vector.load %arg8[%get3A_166, %get3A_167] : memref<1x1024xf32, #tpu.memory_space<vmem>>, vector<1x128xf32>
    %add3A_169 = vector.broadcast %get3A_168 : vector<1x128xf32> to vector<2048x128xf32>
    %add3A_170 = arith.addf %add3A_165, %add3A_169 : vector<2048x128xf32>
    %lt3A_171 = arith.cmpf olt, %add3A_170, %select_n3A_151 : vector<2048x128xf32>
    %select_n3A_172 = arith.select %lt3A_171, %add3A_170, %select_n3A_151 : vector<2048x128xi1>, vector<2048x128xf32>
    %add3A_173 = arith.constant 896 : i32
    %add3A_174 = vector.broadcast %add3A_173 : i32 to vector<2048x128xi32>
    %add3A_175 = arith.addi %iota3A, %add3A_174 : vector<2048x128xi32>
    %select_n3A_176 = arith.select %lt3A_171, %add3A_175, %select_n3A_155 : vector<2048x128xi1>, vector<2048x128xi32>
    %reduce_min3A = arith.constant dense<0x7F800000> : vector<2048xf32>
    %reduce_min3A_177 = vector.multi_reduction <minimumf>, %select_n3A_172, %reduce_min3A [1] : vector<2048x128xf32> to vector<2048xf32>
    %broadcast_in_dim3A_178 = vector.shape_cast %reduce_min3A_177 : vector<2048xf32> to vector<2048x1xf32>
    %eq3A_179 = vector.broadcast %broadcast_in_dim3A_178 : vector<2048x1xf32> to vector<2048x128xf32>
    %eq3A_180 = arith.cmpf oeq, %select_n3A_172, %eq3A_179 : vector<2048x128xf32>
    %jit3A = arith.constant 1024 : i32
    %broadcast_in_dim3A_181 = vector.broadcast %jit3A : i32 to vector<2048x128xi32>
    %select_n3A_182 = arith.select %eq3A_180, %select_n3A_176, %broadcast_in_dim3A_181 : vector<2048x128xi1>, vector<2048x128xi32>
    %reduce_min3A_183 = arith.constant dense<2147483647> : vector<2048xi32>
    %reduce_min3A_184 = vector.multi_reduction <minsi>, %select_n3A_182, %reduce_min3A_183 [1] : vector<2048x128xi32> to vector<2048xi32>
    %broadcast_in_dim3A_185 = vector.shape_cast %reduce_min3A_184 : vector<2048xi32> to vector<2048x1xi32>
    %swap3A = arith.constant 0 : index
    %swap3A_186 = arith.constant 0 : index
    %swap3A_187 = vector.load %arg5[%swap3A, %swap3A_186] : memref<2048x1xi32, #tpu.memory_space<vmem>>, vector<2048x1xi32>
    tpu.vector_store %arg5[%swap3A, %swap3A_186], %broadcast_in_dim3A_185 {strides = array<i32>} : memref<2048x1xi32, #tpu.memory_space<vmem>>, vector<2048x1xi32>,
    %add3A_188 = arith.constant 0 : i32
    %add3A_189 = vector.broadcast %add3A_188 : i32 to vector<2048x128xi32>
    %add3A_190 = arith.addi %iota3A, %add3A_189 : vector<2048x128xi32>
    %eq3A_191 = vector.broadcast %broadcast_in_dim3A_185 : vector<2048x1xi32> to vector<2048x128xi32>
    %eq3A_192 = arith.cmpi eq, %add3A_190, %eq3A_191 : vector<2048x128xi32>
    %convert_element_type3A_193 = arith.extui %eq3A_192 : vector<2048x128xi1> to vector<2048x128xi32>
    %convert_element_type3A_194 = arith.sitofp %convert_element_type3A_193 : vector<2048x128xi32> to vector<2048x128xf32>
    %swap3A_195 = arith.constant 0 : index
    %swap3A_196 = arith.constant 0 : index
    %swap3A_197 = vector.load %arg4[%swap3A_195, %swap3A_196] : memref<2048x1024xf32, #tpu.memory_space<vmem>>, vector<2048x128xf32>
    tpu.vector_store %arg4[%swap3A_195, %swap3A_196], %convert_element_type3A_194 {strides = array<i32>} : memref<2048x1024xf32, #tpu.memory_space<vmem>>, vector<2048x128xf32>,
    %add3A_198 = arith.constant 128 : i32
    %add3A_199 = vector.broadcast %add3A_198 : i32 to vector<2048x128xi32>
    %add3A_200 = arith.addi %iota3A, %add3A_199 : vector<2048x128xi32>
    %eq3A_201 = vector.broadcast %broadcast_in_dim3A_185 : vector<2048x1xi32> to vector<2048x128xi32>
    %eq3A_202 = arith.cmpi eq, %add3A_200, %eq3A_201 : vector<2048x128xi32>
    %convert_element_type3A_203 = arith.extui %eq3A_202 : vector<2048x128xi1> to vector<2048x128xi32>
    %convert_element_type3A_204 = arith.sitofp %convert_element_type3A_203 : vector<2048x128xi32> to vector<2048x128xf32>
    %swap3A_205 = arith.constant 0 : index
    %swap3A_206 = arith.constant 128 : index
    %swap3A_207 = vector.load %arg4[%swap3A_205, %swap3A_206] : memref<2048x1024xf32, #tpu.memory_space<vmem>>, vector<2048x128xf32>
    tpu.vector_store %arg4[%swap3A_205, %swap3A_206], %convert_element_type3A_204 {strides = array<i32>} : memref<2048x1024xf32, #tpu.memory_space<vmem>>, vector<2048x128xf32>,
    %add3A_208 = arith.constant 256 : i32
    %add3A_209 = vector.broadcast %add3A_208 : i32 to vector<2048x128xi32>
    %add3A_210 = arith.addi %iota3A, %add3A_209 : vector<2048x128xi32>
    %eq3A_211 = vector.broadcast %broadcast_in_dim3A_185 : vector<2048x1xi32> to vector<2048x128xi32>
    %eq3A_212 = arith.cmpi eq, %add3A_210, %eq3A_211 : vector<2048x128xi32>
    %convert_element_type3A_213 = arith.extui %eq3A_212 : vector<2048x128xi1> to vector<2048x128xi32>
    %convert_element_type3A_214 = arith.sitofp %convert_element_type3A_213 : vector<2048x128xi32> to vector<2048x128xf32>
    %swap3A_215 = arith.constant 0 : index
    %swap3A_216 = arith.constant 256 : index
    %swap3A_217 = vector.load %arg4[%swap3A_215, %swap3A_216] : memref<2048x1024xf32, #tpu.memory_space<vmem>>, vector<2048x128xf32>
    tpu.vector_store %arg4[%swap3A_215, %swap3A_216], %convert_element_type3A_214 {strides = array<i32>} : memref<2048x1024xf32, #tpu.memory_space<vmem>>, vector<2048x128xf32>,
    %add3A_218 = arith.constant 384 : i32
    %add3A_219 = vector.broadcast %add3A_218 : i32 to vector<2048x128xi32>
    %add3A_220 = arith.addi %iota3A, %add3A_219 : vector<2048x128xi32>
    %eq3A_221 = vector.broadcast %broadcast_in_dim3A_185 : vector<2048x1xi32> to vector<2048x128xi32>
    %eq3A_222 = arith.cmpi eq, %add3A_220, %eq3A_221 : vector<2048x128xi32>
    %convert_element_type3A_223 = arith.extui %eq3A_222 : vector<2048x128xi1> to vector<2048x128xi32>
    %convert_element_type3A_224 = arith.sitofp %convert_element_type3A_223 : vector<2048x128xi32> to vector<2048x128xf32>
    %swap3A_225 = arith.constant 0 : index
    %swap3A_226 = arith.constant 384 : index
    %swap3A_227 = vector.load %arg4[%swap3A_225, %swap3A_226] : memref<2048x1024xf32, #tpu.memory_space<vmem>>, vector<2048x128xf32>
    tpu.vector_store %arg4[%swap3A_225, %swap3A_226], %convert_element_type3A_224 {strides = array<i32>} : memref<2048x1024xf32, #tpu.memory_space<vmem>>, vector<2048x128xf32>,
    %add3A_228 = arith.constant 512 : i32
    %add3A_229 = vector.broadcast %add3A_228 : i32 to vector<2048x128xi32>
    %add3A_230 = arith.addi %iota3A, %add3A_229 : vector<2048x128xi32>
    %eq3A_231 = vector.broadcast %broadcast_in_dim3A_185 : vector<2048x1xi32> to vector<2048x128xi32>
    %eq3A_232 = arith.cmpi eq, %add3A_230, %eq3A_231 : vector<2048x128xi32>
    %convert_element_type3A_233 = arith.extui %eq3A_232 : vector<2048x128xi1> to vector<2048x128xi32>
    %convert_element_type3A_234 = arith.sitofp %convert_element_type3A_233 : vector<2048x128xi32> to vector<2048x128xf32>
    %swap3A_235 = arith.constant 0 : index
    %swap3A_236 = arith.constant 512 : index
    %swap3A_237 = vector.load %arg4[%swap3A_235, %swap3A_236] : memref<2048x1024xf32, #tpu.memory_space<vmem>>, vector<2048x128xf32>
    tpu.vector_store %arg4[%swap3A_235, %swap3A_236], %convert_element_type3A_234 {strides = array<i32>} : memref<2048x1024xf32, #tpu.memory_space<vmem>>, vector<2048x128xf32>,
    %add3A_238 = arith.constant 640 : i32
    %add3A_239 = vector.broadcast %add3A_238 : i32 to vector<2048x128xi32>
    %add3A_240 = arith.addi %iota3A, %add3A_239 : vector<2048x128xi32>
    %eq3A_241 = vector.broadcast %broadcast_in_dim3A_185 : vector<2048x1xi32> to vector<2048x128xi32>
    %eq3A_242 = arith.cmpi eq, %add3A_240, %eq3A_241 : vector<2048x128xi32>
    %convert_element_type3A_243 = arith.extui %eq3A_242 : vector<2048x128xi1> to vector<2048x128xi32>
    %convert_element_type3A_244 = arith.sitofp %convert_element_type3A_243 : vector<2048x128xi32> to vector<2048x128xf32>
    %swap3A_245 = arith.constant 0 : index
    %swap3A_246 = arith.constant 640 : index
    %swap3A_247 = vector.load %arg4[%swap3A_245, %swap3A_246] : memref<2048x1024xf32, #tpu.memory_space<vmem>>, vector<2048x128xf32>
    tpu.vector_store %arg4[%swap3A_245, %swap3A_246], %convert_element_type3A_244 {strides = array<i32>} : memref<2048x1024xf32, #tpu.memory_space<vmem>>, vector<2048x128xf32>,
    %add3A_248 = arith.constant 768 : i32
    %add3A_249 = vector.broadcast %add3A_248 : i32 to vector<2048x128xi32>
    %add3A_250 = arith.addi %iota3A, %add3A_249 : vector<2048x128xi32>
    %eq3A_251 = vector.broadcast %broadcast_in_dim3A_185 : vector<2048x1xi32> to vector<2048x128xi32>
    %eq3A_252 = arith.cmpi eq, %add3A_250, %eq3A_251 : vector<2048x128xi32>
    %convert_element_type3A_253 = arith.extui %eq3A_252 : vector<2048x128xi1> to vector<2048x128xi32>
    %convert_element_type3A_254 = arith.sitofp %convert_element_type3A_253 : vector<2048x128xi32> to vector<2048x128xf32>
    %swap3A_255 = arith.constant 0 : index
    %swap3A_256 = arith.constant 768 : index
    %swap3A_257 = vector.load %arg4[%swap3A_255, %swap3A_256] : memref<2048x1024xf32, #tpu.memory_space<vmem>>, vector<2048x128xf32>
    tpu.vector_store %arg4[%swap3A_255, %swap3A_256], %convert_element_type3A_254 {strides = array<i32>} : memref<2048x1024xf32, #tpu.memory_space<vmem>>, vector<2048x128xf32>,
    %add3A_258 = arith.constant 896 : i32
    %add3A_259 = vector.broadcast %add3A_258 : i32 to vector<2048x128xi32>
    %add3A_260 = arith.addi %iota3A, %add3A_259 : vector<2048x128xi32>
    %eq3A_261 = vector.broadcast %broadcast_in_dim3A_185 : vector<2048x1xi32> to vector<2048x128xi32>
    %eq3A_262 = arith.cmpi eq, %add3A_260, %eq3A_261 : vector<2048x128xi32>
    %convert_element_type3A_263 = arith.extui %eq3A_262 : vector<2048x128xi1> to vector<2048x128xi32>
    %convert_element_type3A_264 = arith.sitofp %convert_element_type3A_263 : vector<2048x128xi32> to vector<2048x128xf32>
    %swap3A_265 = arith.constant 0 : index
    %swap3A_266 = arith.constant 896 : index
    %swap3A_267 = vector.load %arg4[%swap3A_265, %swap3A_266] : memref<2048x1024xf32, #tpu.memory_space<vmem>>, vector<2048x128xf32>
    tpu.vector_store %arg4[%swap3A_265, %swap3A_266], %convert_element_type3A_264 {strides = array<i32>} : memref<2048x1024xf32, #tpu.memory_space<vmem>>, vector<2048x128xf32>,
    return
  }
  func.func @transform_0(%arg0: i32) -> (i32, i32) {
    %c0_i32 = arith.constant 0 : i32
    %c0_i32_0 = arith.constant 0 : i32
    return %arg0, %c0_i32 : i32, i32
  }
  func.func @transform_1(%arg0: i32) -> (i32, i32) {
    %c0_i32 = arith.constant 0 : i32
    %c0_i32_0 = arith.constant 0 : i32
    %c0_i32_1 = arith.constant 0 : i32
    return %c0_i32, %c0_i32_0 : i32, i32
  }
  func.func @transform_2(%arg0: i32) -> (i32, i32) {
    %c0_i32 = arith.constant 0 : i32
    %c0_i32_0 = arith.constant 0 : i32
    %c0_i32_1 = arith.constant 0 : i32
    return %c0_i32, %c0_i32_0 : i32, i32
  }
  func.func @transform_3(%arg0: i32) -> (i32, i32) {
    %c0_i32 = arith.constant 0 : i32
    %c0_i32_0 = arith.constant 0 : i32
    return %arg0, %c0_i32 : i32, i32
  }
  func.func @transform_4(%arg0: i32) -> (i32, i32) {
    %c0_i32 = arith.constant 0 : i32
    %c0_i32_0 = arith.constant 0 : i32
    return %arg0, %c0_i32 : i32, i32
  }
  func.func @transform_5(%arg0: i32) -> (i32, i32) {
    %c0_i32 = arith.constant 0 : i32
    %c0_i32_0 = arith.constant 0 : i32
    %c0_i32_1 = arith.constant 0 : i32
    return %c0_i32, %c0_i32_0 : i32, i32
  }
}

</mosaic_0001>

<sc_bundles>
// kernel: kernel.4.cloned.1.call-start
scs
__scs_entry_jumppad:
0x0: {  	(pc) =	sbr.rel $0x88, $3  }
0x1: {  	(tag) =	ssettag $0x0;
	lr =	simm.s32 $0x1  }
0x2: {  	[smem:$0x3F9E] =	sst lr;
	_ =	strace $0xD0000000  }
0x3: {  	_ = 	snop  }
0x4: {  	_ = 	snop  }
0x5: {  	_ = 	snop  }
0x6: {  	_ = 	snop  }
0x7: {  	_ = 	snop  }
__scs_overlays_trampoline_lowered:
0x8: {  	[smem:$0x3FAD] =	sst s0  }
0x9: {  	[smem:$0x3FAE] =	sst s1  }
0xa: {  	[smem:$0x3FAF] =	sst s2  }
0xb: {  	[smem:$0x3FB0] =	sst s3  }
0xc: {  	[smem:$0x3FB1] =	sst s4  }
0xd: {  	[smem:$0x3FB2] =	sst s5  }
0xe: {  	[smem:$0x3FB3] =	sst s6  }
0xf: {  	[smem:$0x3FB4] =	sst s7  }
0x10: {  	[smem:$0x3FB5] =	sst s8  }
0x11: {  	[smem:$0x3FB6] =	sst s9;
	s0 =	simm.s32 @!p0 $0x0  }
0x12: {  	s1 =	sld [smem:$0x3F9C];
	s0 =	simm.s32 @p0 $0x1  }
0x13: {  	[smem:$0x3FB7] =	sst s0;
	s0 =	simm.s32 @!p1 $0x0  }
0x14: {  	s2 =	sld [smem:$0x3F9B];
	s0 =	simm.s32 @p1 $0x1  }
0x15: {  	[smem:$0x3FB8] =	sst s0;
	s0 =	simm.s32 @!p2 $0x0  }
0x16: {  	s3 =	sld [smem:$0x3FDB];
	s0 =	simm.s32 @p2 $0x1  }
0x17: {  	s4 =	simm.s32 $0x1BF5;
	[smem:$0x3FBA] =	sst s0  }
0x18: {  	s0 =	sld [smem:$0x3F9D];
	_ =	swait.ge [sflag:s4], $0x0  }
0x19: {  	s7 =	sld [smem:$0x3F9E]  }
0x1a: {  	s8 =	sadd.s32 $0xFFFFE003, lr  }
0x1b: {  	s9 =	sadd.s32 $0xFFFFFEF7, lr;
	s5 =	simm.s32 $0xFFFFFFFF;
	p2 =	slt.u32 s8, $0xFFFFF086  }
0x1c: {  	p1 =	slt.u32 s9, $0xF7A;
	s5 =	simm.s32 @!p2 $0x0  }
0x1d: {  	s5 =	simm.s32 @p1 $0x1;
	p0 =	seq.s32 s7, s2  }
0x1e: {  	s7 =	smul.u32 @!p0 $0xF7A, s2;
	p2 =	seq.s32 @!p0 s5, $0x0  }
0x1f: {  	s9 =	smul.u32 $0xF7A, s1;
	s8 =	simm.s32 @!p0 $0x1BF5;
	p2 =	por !p2, p0  }
0x20: {  	[sflag:s8] =	ssyncset.s32 @!p0 $0xFFFFF086;
	s6 =	sadd.s32 @!p0 s3, s7;
	s7 =	simm.s32 @!p0 $0x108  }
0x21: {  	s3 =	sadd.s32 s3, s9;
	s6 =	sadd.s32 @!p0 $0x88, s6;
	s7 =	simm.s32 @p2 $0x1082  }
0x22: {  	[simem:s7], [sflag:s8] =	dma.local @!p0 [hbm:s6], $0xF7A  }
0x23: {  	s9 =	sor.u32 $0xD0000000, s2;
	s6 =	simm.s32 $0x108;
	_ =	swait.ge @!p0 [sflag:s8], $0x0  }
0x24: {  	s3 =	sadd.s32 $0x88, s3;
	s6 =	simm.s32 @!p1 $0x1082;
	[sflag:s4] =	ssyncset.s32 $0xFFFFF086  }
0x25: {  	[simem:s6], [sflag:s4] =	dma.local [hbm:s3], $0xF7A  }
0x26: {  	[smem:$0x3F9E] =	sst s1;
	(tag) =	ssettag s2;
	_ =	strace s9  }
0x27: {  	s1 =	sld [smem:$0x3FAE]  }
0x28: {  	s2 =	sld [smem:$0x3FAF]  }
0x29: {  	s4 =	sld [smem:$0x3FB1]  }
0x2a: {  	p0 =	seq.s32 s5, $0x0;
	s5 =	sld [smem:$0x3FB2]  }
0x2b: {  	s6 =	sld [smem:$0x3FB3]  }
0x2c: {  	s7 =	sld [smem:$0x3FB4]  }
0x2d: {  	s3 =	simm.s32 $0x108;
	s8 =	sld [smem:$0x3FB5]  }
0x2e: {  	s3 =	simm.s32 @!p0 $0x1082;
	s9 =	sld [smem:$0x3FB6]  }
0x2f: {  	lr =	sadd.s32 s0, s3;
	s0 =	sld [smem:$0x3FAD]  }
0x30: {  	s3 =	sld [smem:$0x3FB0]  }
0x31: {  	[smem:$0x3FB9] =	sst s10  }
0x32: {  	s10 =	sld [smem:$0x3FB7];
	_ =	sdelay $0x3  }
0x33: {  	p0 =	seq.s32 s10, $0x1;
	s10 =	sld [smem:$0x3FB9];
	_ =	sdelay $0x3  }
0x34: {  	[smem:$0x3FB9] =	sst s10  }
0x35: {  	s10 =	sld [smem:$0x3FB8];
	_ =	sdelay $0x3  }
0x36: {  	p1 =	seq.s32 s10, $0x1;
	s10 =	sld [smem:$0x3FB9];
	_ =	sdelay $0x3  }
0x37: {  	[smem:$0x3FB9] =	sst s10  }
0x38: {  	s10 =	sld [smem:$0x3FBA]  }
0x39: {  	_ = 	snop;
	(pc) =	sbr.ind lr, $3  }
0x3a: {  	_ = 	snop  }
0x3b: {  	_ = 	snop  }
0x3c: {  	p2 =	seq.s32 s10, $0x1;
	s10 =	sld [smem:$0x3FB9]  }
0x3d: {  	_ =	shalt  }
0x3e: {  	_ =	shalt  }
0x3f: {  	_ =	shalt  }
0x40: {  	_ =	shalt  }
0x41: {  	_ =	shalt  }
0x42: {  	_ =	shalt  }
0x43: {  	_ =	shalt  }
0x44: {  	_ =	shalt  }
0x45: {  	_ =	shalt  }
0x46: {  	_ =	shalt  }
0x47: {  	_ =	shalt  }
0x48: {  	_ =	shalt  }
0x49: {  	_ =	shalt  }
0x4a: {  	_ =	shalt  }
0x4b: {  	_ =	shalt  }
0x4c: {  	_ =	shalt  }
0x4d: {  	_ =	shalt  }
0x4e: {  	_ =	shalt  }
0x4f: {  	_ =	shalt  }
0x50: {  	_ =	shalt  }
0x51: {  	_ =	shalt  }
0x52: {  	_ =	shalt  }
0x53: {  	_ =	shalt  }
0x54: {  	_ =	shalt  }
0x55: {  	_ =	shalt  }
0x56: {  	_ =	shalt  }
0x57: {  	_ =	shalt  }
0x58: {  	_ =	shalt  }
0x59: {  	_ =	shalt  }
0x5a: {  	_ =	shalt  }
0x5b: {  	_ =	shalt  }
0x5c: {  	_ =	shalt  }
0x5d: {  	_ =	shalt  }
0x5e: {  	_ =	shalt  }
0x5f: {  	_ =	shalt  }
0x60: {  	_ =	shalt  }
0x61: {  	_ =	shalt  }
0x62: {  	_ =	shalt  }
0x63: {  	_ =	shalt  }
0x64: {  	_ =	shalt  }
0x65: {  	_ =	shalt  }
0x66: {  	_ =	shalt  }
0x67: {  	_ =	shalt  }
0x68: {  	_ =	shalt  }
0x69: {  	_ =	shalt  }
0x6a: {  	_ =	shalt  }
0x6b: {  	_ =	shalt  }
0x6c: {  	_ =	shalt  }
0x6d: {  	_ =	shalt  }
0x6e: {  	_ =	shalt  }
0x6f: {  	_ =	shalt  }
0x70: {  	_ =	shalt  }
0x71: {  	_ =	shalt  }
0x72: {  	_ =	shalt  }
0x73: {  	_ =	shalt  }
0x74: {  	_ =	shalt  }
0x75: {  	_ =	shalt  }
0x76: {  	_ =	shalt  }
0x77: {  	_ =	shalt  }
0x78: {  	_ =	shalt  }
0x79: {  	_ =	shalt  }
0x7a: {  	_ =	shalt  }
0x7b: {  	_ =	shalt  }
0x7c: {  	_ =	shalt  }
0x7d: {  	_ =	shalt  }
0x7e: {  	_ =	shalt  }
0x7f: {  	_ =	shalt  }
0x80: {  	_ =	shalt  }
0x81: {  	_ =	shalt  }
0x82: {  	_ =	shalt  }
0x83: {  	_ =	shalt  }
0x84: {  	_ =	shalt  }
0x85: {  	_ =	shalt  }
0x86: {  	_ =	shalt  }
0x87: {  	_ =	shalt  }
.Lfunc_end0:
.L_simem_size_0:
called_computation_lowered:
.L_overlay_start_0:
0x88: {  	s2 =	sld [smem:$0x3FD9]  }
0x89: {  	s3 =	sld [smem:$0x3FFE];
	_ =	sdelay $0x1  }
0x8a: {  	s1 =	srdreg.scid  }
0x8b: {  	s0 =	sand.u32 $0x1, s1  }
0x8c: {  	s14 =	sshll.u32 s0, $0xA;
	s2 =	sadd.s32 s3, s2  }
0x8d: {  	s2 =	sadd.s32 s2, s14  }
0x8e: {  	[smem:$0x3FC5] =	sst s2  }
0x8f: {  	_ = 	snop  }
0x90: {  	s2 =	sld [smem:$0x3FD0];
	_ =	sdelay $0x2  }
0x91: {  	s15 =	simm.s32 $0xA;
	s4 =	simm.s32 $0x10  }
0x92: {  	[smem:s4], [sflag:s15] =	dma.local [hbm:s2], $0x1  }
0x93: {  	_ =	swait.eq [sflag:s15], $0x1  }
0x94: {  	[sflag:s15] =	ssyncset.done $0x0  }
0x95: {  	[sflag:s15] =	ssyncadd.s32 $0xFFFFFFFF  }
0x96: {  	s16 =	sld [smem:$0x11];
	(tm) =	ssettm $0x1  }
0x97: {  	s17 =	sld [smem:$0x3FFB];
	_ =	sdelay $0x3  }
0x98: {  	_ =	strace s17  }
0x99: {  	s3 =	sld [smem:$0x3FFC];
	_ =	sdelay $0x3  }
0x9a: {  	_ =	strace s3  }
0x9b: {  	s3 =	sld [smem:$0x3FFD];
	_ =	sdelay $0x3  }
0x9c: {  	_ =	strace s3  }
0x9d: {  	_ =	strace $0x8FFFFFFF  }
0x9e: {  	s18 =	sld [smem:$0x3FDB];
	_ =	sdelay $0x1  }
0x9f: {  	s19 =	simm.s32 $_scs_section_size  }
0xa0: {  	s5 =	simm.s32 $_size__tile_overlayer_lowered;
	s6 =	simm.s32 $_tile_overlayer_lowered  }
0xa1: {  	s22 =	simm.s32 $0x1BFF;
	s21 =	sshll.u32 s6, $0x1;
	s3 =	sadd.s32 s19, s18  }
0xa2: {  	s7 =	simm.s32 $0x0;
	s20 =	sshll.u32 s5, $0x1;
	s5 =	sadd.s32 s21, s3  }
0xa3: {  	[timem:s7], [sflag:s22] =	dma.local [hbm:s5], s20  }
0xa4: {  	_ =	swait.ge [sflag:s22], s20  }
0xa5: {  	s4 =	ssub.s32 $0x0, s20;
	[sflag:s22] =	ssyncset.done $0x0  }
0xa6: {  	[sflag:s22] =	ssyncadd.s32 s4;
	_ =	sdelay $0x1  }
0xa7: {  	s23 =	simm.s32 $0x1B8B  }
0xa8: {  	_ =	swait.ge [sflag:s23], $0x1  }
0xa9: {  	[sflag:s23] =	ssyncset.done $0x0  }
0xaa: {  	s25 =	simm.s32 $0x1B8E;
	s24 =	sld [smem:$0x3FFE];
	[sflag:s23] =	ssyncadd.s32 $0xFFFFFFFF  }
0xab: {  	s26 =	simm.s32 $execute0_lowered;
	[smem:$0x3FD2] =	sst s25  }
0xac: {  	s5 =	sshll.u32 s26, $0x1;
	_ =	strace $0x80000046;
	[dreg:$0x1] =	wrdreg $0xFFFFFFFF  }
0xad: {  	s28 =	simm.s32 $_size_execute0_lowered;
	s3 =	sadd.s32 s3, s5;
	[dreg:$0x0] =	wrdreg $0x0  }
0xae: {  	s5 =	sshll.u32 s28, $0x1;
	[dreg:$0x2] =	wrdreg s3  }
0xaf: {  	[dreg:$0x3] =	wrdreg s5  }
0xb0: {  	[dreg:$0x4] =	wrdreg $0xC0  }
0xb1: {  	_ =	task [dreg:s7], $0x5FFFF  }
0xb2: {  	[dreg:$0x1] =	wrdreg $0xFFFFFFFF  }
0xb3: {  	[dreg:$0x0] =	wrdreg $0x60  }
0xb4: {  	[dreg:$0x2] =	wrdreg s16  }
0xb5: {  	[dreg:$0x3] =	wrdreg s24  }
0xb6: {  	[dreg:$0x4] =	wrdreg $0x9  }
0xb7: {  	_ =	task.clear_ibuf [dreg:s7], $0x5FFFF;
	_ =	strace $0x90000046  }
0xb8: {  	s29 =	simm.s32 $0x9;
	_ =	strace $0x80000048  }
0xb9: {  	_ =	swait.ge [sflag:s29], $0x1  }
0xba: {  	[sflag:s29] =	ssyncadd.s32 $0xFFFFFFFF  }
0xbb: {  	_ =	strace $0x90000048  }
0xbc: {  	_ =	sfence  }
0xbd: {  	s30 =	sld [smem:$0x0];
	_ =	sdelay $0x2  }
0xbe: {  	s31 =	sshll.u32 s1, $0xD;
	s1 =	sshrl.u32 s1, $0x2  }
0xbf: {  	s3 =	sand.u32 $0x4000, s31;
	s1 =	sadd.s32 s1, s30  }
0xc0: {  	s0 =	sor.u32 s3, s0;
	s1 =	sshll.u32 s1, $0x11  }
0xc1: {  	s0 =	sor.u32 s1, s0  }
0xc2: {  	s0 =	sadd.s32 $0x8F2B, s0  }
0xc3: {  	[sflag:s0] =	ssyncadd.remote.s32 $0x1  }
0xc4: {  	_ =	sfence.sel $0xFFFF  }
0xc5: {  	[dreg:$0x0] =	wrdreg $0xFFFFFFFF;
	(pc) =	sbr.abs _section_cstart, $3  }
0xc6: {  	[dreg:$0x1] =	wrdreg $0xFFFFFFFF  }
0xc7: {  	_ =	task.clear_ibuf [dreg:s7], $0x2FFFF;
	_ =	strace $0x9FFFFFFF  }
0xc8: {  	(tm) =	ssettm $0x7FFFFFFF  }
0xc9: {  	_ =	shalt  }
tec
execute0_lowered:
.L_overlay_start_1:
0x0: {  	(tag) =	ssettag $0x1  }
0x1: {  	s1 =	srdreg.scid  }
0x2: {  	s0 =	stileid.u32;
	s6 =	sand.u32 $0x1, s1  }
0x3: {  	s2 =	rddreg [dreg:$0x0];
	s30 =	sshll.u32 s0, $0xA;
	s3 =	sshll.u32 s6, $0x9  }
0x4: {  	s8 =	rddreg [dreg:$0x1];
	s7 =	simm.s32 $0x1;
	s9 =	sor.u32 s3, s30  }
0x5: {  	s1 =	rddreg [dreg:$0x2];
	s3 =	simm.s32 $0x0;
	s4 =	sshrl.u32 s9, $0x3  }
0x6: {  	s10 =	ssub.s32 $0x2, s6;
	[smem:$0x7FF] =	sst s3;
	s4 =	sadd.s32 s4, s8  }
0x7: {  	_ =	strace $0x80000047;
	s5 =	sadd.s32 $0x600, s4;
	s4 =	simm.s32 $0x2  }
0x8: {  	[tilespmem:s3], [sflag:$0x2] =	stream.linear.gather [hbm4b:s5+s3], $0x200, $0x38;
	[tilespmem:$0x10200] =	vst v63  }
0x9: {  	s6 =	simm.s32 $0x200;
	s11 =	sshrl.u32 s10, $0x1;
	_ =	swait.ge [sflag:s4], $0x200  }
0xa: {  	s9 =	sshll.u32 s9, $0x4;
	s31 =	ssub.s32 s10, s11;
	[sflag:s4] =	ssyncset.done $0x0  }
0xb: {  	s8 =	sadd.s32 s9, s8;
	s9 =	smax.u32 s31, $0x1;
	[sflag:s4] =	ssyncadd.s32 $0xFFFFFE00  }
0xc: {  	[tilespmem:s6], [sflag:$0x1] =	stream.indirect.gather [hbm4b:s2+s6], $0x80, s3, s6, $0xb8;
	[tilespmem:$0x10200] =	vst v63  }
0xd: {  	p0 =	sne.s32 s9, $0x1;
	_ =	swait.ge [sflag:s7], $0x10000  }
.Ltmp0:
0xe: {  	[sflag:s7] =	ssyncset.done $0x0;
	(pc) =	sbr.rel @!p0 .LBB2_2-.Ltmp0, $4  }
0xf: {  	s8 =	sadd.s32 $0xE00, s8;
	[sflag:s7] =	ssyncadd.s32 $0xFFFF0000  }
0x10: {  	[hbm4b:s8+s3] =	stream.linear.scatter [tilespmem:s6], [sflag:$0x2], $0x10000, $0x38;
	[tilespmem:$0x10200] =	vst v63  }
0x11: {  	_ =	swait.ge [sflag:s4], $0x10000  }
0x12: {  	s9 =	sadd.s32 $0xFFFFFFFF, s9;
	[sflag:s4] =	ssyncset.done $0x0  }
.LBB2_1:
0x13: {  	p0 =	sne.s32 s9, $0x1;
	s9 =	sadd.s32 $0xFFFFFFFF, s9;
	[sflag:s4] =	ssyncadd.s32 $0xFFFF0000  }
0x14: {  	[tilespmem:s3], [sflag:$0x2] =	stream.linear.gather [hbm4b:s5+s3], $0x200, $0x38;
	[tilespmem:$0x10200] =	vst v63  }
0x15: {  	_ =	swait.ge [sflag:s4], $0x200  }
0x16: {  	[sflag:s4] =	ssyncset.done $0x0  }
0x17: {  	[sflag:s4] =	ssyncadd.s32 $0xFFFFFE00  }
0x18: {  	[tilespmem:s6], [sflag:$0x1] =	stream.indirect.gather [hbm4b:s2+s6], $0x80, s3, s6, $0xb8;
	[tilespmem:$0x10200] =	vst v63  }
0x19: {  	_ =	swait.ge [sflag:s7], $0x10000  }
.Ltmp1:
0x1a: {  	[sflag:s7] =	ssyncset.done $0x0;
	(pc) =	sbr.rel @p0 .LBB2_1-.Ltmp1, $4  }
0x1b: {  	[sflag:s7] =	ssyncadd.s32 $0xFFFF0000  }
0x1c: {  	[hbm4b:s8+s3] =	stream.linear.scatter [tilespmem:s6], [sflag:$0x2], $0x10000, $0x38;
	[tilespmem:$0x10200] =	vst v63  }
0x1d: {  	_ =	swait.ge [sflag:s4], $0x10000  }
0x1e: {  	[sflag:s4] =	ssyncset.done $0x0  }
.LBB2_2:
0x1f: {  	[sflag:s4] =	ssyncadd.s32 $0xFFFF0000  }
0x20: {  	_ =	sfence.sel $0x180000  }
0x21: {  	[bflag:$0x0] =	sbarrier.arrive $0xFFFF  }
0x22: {  	p0 =	sne.s32 s0, $0x0;
	_ =	strace $0x90000047  }
0x23: {  	s0 =	sadd.s32 @!p0 $0x100000, s1;
	[bflag:$0x2] =	sbarrier.arrive $0xFFFF  }
0x24: {  	[sflag:s0] =	ssyncadd.tile.s32 @!p0 $0x1;
	_ =	shalt  }
.Lfunc_end2:
_tile_overlayer_lowered:
.L_overlay_start_2:
0x25: {  	(tag) =	ssettag $0x2  }
0x26: {  	s0 =	rddreg [dreg:$0x0];
	s2 =	stileid.u32  }
0x27: {  	s1 =	rddreg [dreg:$0x1];
	p0 =	sne.s32 s2, $0x0  }
0x28: {  	s3 =	rddreg [dreg:$0x2];
	[bflag:$0x3] =	sbarrier.arrive $0xFFFF;
	s2 =	simm.s32 @!p0 $0x1C02  }
0x29: {  	[timem:s3], [sflag:s2] =	dma.local @!p0 [hbm:s0], s1  }
0x2a: {  	s0 =	simm.s32 @!p0 $0x2  }
0x2b: {  	_ =	swait.ge @!p0 [sflag:s0], s1  }
0x2c: {  	s1 =	ssub.s32 @!p0 $0x0, s1;
	[sflag:s0] =	ssyncset.done @!p0 $0x0  }
0x2d: {  	[sflag:s0] =	ssyncadd.s32 @!p0 s1  }
0x2e: {  	[bflag:$0x3] =	sbarrier.arrive $0xFFFF  }
0x2f: {  	_ =	shalt  }

</sc_bundles>
